<compile_context>
chip_gen: v7x
topology: tpu7x:2x2x1
jax: 0.10.2.dev20260603
libtpu: 0.0.44.dev20260713+nightly
codegen_flags: <defaults>
</compile_context>

<pallas_src>
import functools

import jax
import jax.numpy as jnp
from jax import lax
from jax.experimental import pallas as pl
from jax.experimental.pallas import tpu as pltpu
from jax.experimental.pallas import tpu_sc as plsc

N = 18432
D = 64
K = 1024
B = 32
BN = 3072
NB = N // BN

NC = 2
NS = 16
NW = NC * NS
RPW = N // NW
GCH = 64
NCH = RPW // GCH


def _argmin_rows(dist):
    rows = dist.shape[0]
    m = dist[:, 0:128]
    bj = jnp.zeros((rows, 128), jnp.int32)
    for j in range(1, K // 128):
        dj = dist[:, 128 * j:128 * (j + 1)]
        lt = dj < m
        m = jnp.minimum(m, dj)
        bj = jnp.where(lt, jnp.int32(j), bj)
    min_d = jnp.min(m, axis=1, keepdims=True)
    k_cand = bj * 128 + lax.broadcasted_iota(jnp.int32, (rows, 128), 1)
    idx = jnp.min(jnp.where(m == min_d, k_cand, K), axis=1, keepdims=True)
    return min_d, idx


def _tc_body(lat_ref, cbn_ref, cbsq_ref, dist_ref, idx_ref, loss_ref):
    cbn = cbn_ref[...]
    cb_sq = cbsq_ref[...]
    lat = lat_ref[...]
    i = pl.program_id(0)

    @pl.when(i == 0)
    def _():
        loss_ref[0, 0] = 0.0

    lat_sq = jnp.sum(lat * lat, axis=1, keepdims=True)
    mm = lax.dot_general(
        lat, cbn,
        (((1,), (1,)), ((), ())),
        preferred_element_type=jnp.float32)
    dist = lat_sq - 2.0 * mm + cb_sq
    dist_ref[...] = dist
    min_d, idx = _argmin_rows(dist)
    idx_ref[...] = idx
    loss_ref[0, 0] += jnp.sum(min_d)


_tc_call = pl.pallas_call(
    _tc_body,
    grid=(NB,),
    in_specs=[
        pl.BlockSpec((BN, D), lambda i: (i, 0)),
        pl.BlockSpec((K, D), lambda i: (0, 0)),
        pl.BlockSpec((1, K), lambda i: (0, 0)),
    ],
    out_specs=[
        pl.BlockSpec((BN, K), lambda i: (i, 0)),
        pl.BlockSpec((BN, 1), lambda i: (i, 0)),
        pl.BlockSpec(memory_space=pltpu.SMEM),
    ],
    out_shape=[
        jax.ShapeDtypeStruct((N, K), jnp.float32),
        jax.ShapeDtypeStruct((N, 1), jnp.int32),
        jax.ShapeDtypeStruct((1, 1), jnp.float32),
    ],
)


@functools.lru_cache(maxsize=1)
def _make_sc_gather():
    @functools.partial(
        pl.kernel,
        mesh=plsc.VectorSubcoreMesh(core_axis_name="c", subcore_axis_name="s"),
        out_type=jax.ShapeDtypeStruct((N, D), jnp.float32),
        scratch_types=[
            pltpu.VMEM((NCH, GCH), jnp.int32),
            pltpu.VMEM((RPW, D), jnp.float32),
            pltpu.SemaphoreType.DMA,
        ],
        compiler_params=pltpu.CompilerParams(use_tc_tiling_on_sc=False),
    )
    def _sc_gather(cbn_hbm, idx_hbm, out_hbm, idx_v, rows_v, sem):
        wid = lax.axis_index("s") * NC + lax.axis_index("c")
        base = wid * RPW
        pltpu.sync_copy(idx_hbm.at[wid], idx_v)
        handles = [
            pltpu.async_copy(cbn_hbm.at[idx_v.at[j]],
                             rows_v.at[pl.ds(j * GCH, GCH)], sem)
            for j in range(NCH)
        ]
        for h in handles:
            h.wait()
        pltpu.sync_copy(rows_v, out_hbm.at[pl.ds(base, RPW)])

    return _sc_gather


def kernel(preq_latents, codebook):
    lat = jnp.transpose(preq_latents, (0, 2, 3, 1)).reshape(N, D)
    norm = jnp.linalg.norm(codebook, axis=1, keepdims=True)
    cbn = codebook / jnp.maximum(norm, 1e-12)
    cb_sq = jnp.sum(cbn ** 2, axis=1)[None, :]
    distances, idx2, loss_sum = _tc_call(lat, cbn, cb_sq)
    indices = idx2.reshape(N)
    q = _make_sc_gather()(cbn, indices.reshape(NW, NCH, GCH))
    st = jnp.transpose(q.reshape(B, 24, 24, D), (0, 3, 1, 2))
    loss = loss_sum[0, 0] / jnp.float32(N * D)
    return (st, preq_latents, loss, loss, indices, distances)

# --- scband reference (transcript-rebuilt; emitter-appended) ---
"""Pipeline reference for scband-qbottleneck-36043365548379 (READ-ONLY COPY).

The authoritative reference and input builder live on the scoring server;
editing this copy changes nothing except your own understanding.
"""

import jax, jax.numpy as jnp
import numpy as np


def setup_inputs(seed: int = 0) -> dict:
    key = jax.random.key(seed)
    k1, k2 = jax.random.split(key)
    preq_latents = jax.random.normal(k1, (32, 64, 24, 24), dtype=jnp.float32)
    codebook = jax.random.normal(k2, (1024, 64), dtype=jnp.float32)
    return {"preq_latents": preq_latents, "codebook": codebook}


def _normalize(cb):
    # F.normalize(codebook, dim=1) with default eps=1e-12
    norm = jnp.linalg.norm(cb, axis=1, keepdims=True)
    return cb / jnp.maximum(norm, 1e-12)


def reference(preq_latents, codebook):
    batch_size, hidden_dim, num_y, num_x = preq_latents.shape
    latents = jnp.transpose(preq_latents, (0, 2, 3, 1)).reshape(-1, hidden_dim)
    cb = _normalize(codebook)  # normalize_codebook=True
    # distances[i, j] = sum((cb[j] - latents[i])**2) via expanded quadratic form
    # (mathematically identical to the broadcasted sum-of-squares, avoids NxKxd temp)
    lat_sq = jnp.sum(latents ** 2, axis=1, keepdims=True)          # [N, 1]
    cb_sq = jnp.sum(cb ** 2, axis=1)[None, :]                       # [1, K]
    distances = lat_sq - 2.0 * (latents @ cb.T) + cb_sq             # [N, K]
    indices = jnp.argmin(distances, axis=1)                         # [N]
    q = jnp.take(cb, indices, axis=0)
    q = q.reshape(batch_size, num_y, num_x, hidden_dim)
    q = jnp.transpose(q, (0, 3, 1, 2))                              # [B, C, H, W]
    commitment_loss = jnp.mean((jax.lax.stop_gradient(q) - preq_latents) ** 2)
    embedding_loss = jnp.mean((q - jax.lax.stop_gradient(preq_latents)) ** 2)
    st_latent = preq_latents + jax.lax.stop_gradient(q - preq_latents)
    return (st_latent, preq_latents, commitment_loss, embedding_loss, indices, distances)

if __name__ == "__main__":
    import jax
    _d = setup_inputs()
    print(jax.jit(kernel)(*tuple(_d.values())))

</pallas_src>

<mosaic_0001>
#map = affine_map<(d0, d1) -> (0, 0)>
#map1 = affine_map<(d0, d1) -> (0, 0, 0)>
module attributes {stable_mosaic.version = 14 : i64} {
  func.func @_sc_gather(%arg0: i32, %arg1: i32, %arg2: memref<1024x64xf32, #tpu.memory_space<hbm>>, %arg3: memref<32x9x64xi32, #tpu.memory_space<hbm>>, %arg4: memref<18432x64xf32, #tpu.memory_space<hbm>>, %arg5: memref<9x64xi32, #tpu.memory_space<vmem>>, %arg6: memref<576x64xf32, #tpu.memory_space<vmem>>, %arg7: memref<!tpu.dma_semaphore, #tpu.memory_space<semaphore_mem>>) attributes {dimension_semantics = [#tpu.dimension_semantics<core_parallel>, #tpu.dimension_semantics<subcore_parallel>], iteration_bounds = array<i64: 2, 16>, scalar_prefetch = 0 : i64, scratch_operands = 3 : i64, tpu.core_type = #tpu.core_type<sc_vector_subcore>, window_params = [{transform_indices = #map}, {transform_indices = #map1}, {transform_indices = #map}]} {
    %mul3A = arith.constant 2 : i32
    %mul3A_0 = arith.muli %arg1, %mul3A : i32
    %add3A = arith.addi %mul3A_0, %arg0 : i32
    %mul3A_1 = arith.constant 576 : i32
    %mul3A_2 = arith.muli %add3A, %mul3A_1 : i32
    "tpu.region"() ({
      %run_scoped3A = tpu.sem_alloc : memref<!tpu.dma_semaphore, #tpu.memory_space<semaphore_mem>>
      %dma_start3A_181 = arith.constant 0 : i32
      %dma_start3A_182 = arith.constant 0 : i32
      %dma_start3A_183 = tpu.memref_slice %arg3[%add3A, %dma_start3A_181, %dma_start3A_182] : memref<32x9x64xi32, #tpu.memory_space<hbm>> -> memref<1x9x64xi32, #tpu.memory_space<hbm>>
      %dma_start3A_184 = tpu.memref_squeeze %dma_start3A_183 : memref<1x9x64xi32, #tpu.memory_space<hbm>> -> memref<9x64xi32, #tpu.memory_space<hbm>>
      %dma_start3A_185 = arith.constant 0 : i32
      %dma_start3A_186 = arith.constant 0 : i32
      %dma_start3A_187 = tpu.memref_slice %arg3[%add3A, %dma_start3A_185, %dma_start3A_186] : memref<32x9x64xi32, #tpu.memory_space<hbm>> -> memref<1x9x64xi32, #tpu.memory_space<hbm>>
      %dma_start3A_188 = tpu.memref_squeeze %dma_start3A_187 : memref<1x9x64xi32, #tpu.memory_space<hbm>> -> memref<9x64xi32, #tpu.memory_space<hbm>>
      tpu.enqueue_dma source(%dma_start3A_188 : memref<9x64xi32, #tpu.memory_space<hbm>>) target(%arg5 : memref<9x64xi32, #tpu.memory_space<vmem>>) target_semaphore(%run_scoped3A : memref<!tpu.dma_semaphore, #tpu.memory_space<semaphore_mem>>)
      %dma_wait3A_189 = arith.constant 0 : i32
      %dma_wait3A_190 = arith.constant 0 : i32
      %dma_wait3A_191 = tpu.memref_slice %arg3[%add3A, %dma_wait3A_189, %dma_wait3A_190] : memref<32x9x64xi32, #tpu.memory_space<hbm>> -> memref<1x9x64xi32, #tpu.memory_space<hbm>>
      %dma_wait3A_192 = tpu.memref_squeeze %dma_wait3A_191 : memref<1x9x64xi32, #tpu.memory_space<hbm>> -> memref<9x64xi32, #tpu.memory_space<hbm>>
      %dma_wait3A_193 = arith.constant 0 : i32
      %dma_wait3A_194 = arith.constant 0 : i32
      %dma_wait3A_195 = tpu.memref_slice %arg3[%add3A, %dma_wait3A_193, %dma_wait3A_194] : memref<32x9x64xi32, #tpu.memory_space<hbm>> -> memref<1x9x64xi32, #tpu.memory_space<hbm>>
      %dma_wait3A_196 = tpu.memref_squeeze %dma_wait3A_195 : memref<1x9x64xi32, #tpu.memory_space<hbm>> -> memref<9x64xi32, #tpu.memory_space<hbm>>
      tpu.wait_dma2 semaphore(%run_scoped3A : memref<!tpu.dma_semaphore, #tpu.memory_space<semaphore_mem>>) src(%dma_wait3A_196 : memref<9x64xi32, #tpu.memory_space<hbm>>) dst(%arg5 : memref<9x64xi32, #tpu.memory_space<vmem>>)
      tpu.yield
    }) : () -> ()
    %dma_start3A = arith.constant 0 : i32
    %dma_start3A_3 = arith.constant 0 : i32
    %dma_start3A_4 = arith.constant 0 : i32
    %dma_start3A_5 = tpu.memref_slice %arg6[%dma_start3A_3, %dma_start3A_4] : memref<576x64xf32, #tpu.memory_space<vmem>> -> memref<64x64xf32, #tpu.memory_space<vmem>>
    %dma_start3A_6 = arith.constant 0 : i32
    %dma_start3A_7 = tpu.memref_slice %arg5[%dma_start3A, %dma_start3A_6] : memref<9x64xi32, #tpu.memory_space<vmem>> -> memref<1x64xi32, #tpu.memory_space<vmem>>
    %dma_start3A_8 = tpu.memref_squeeze %dma_start3A_7 : memref<1x64xi32, #tpu.memory_space<vmem>> -> memref<64xi32, #tpu.memory_space<vmem>>
    %dma_start3A_9 = arith.constant 0 : i32
    %dma_start3A_10 = arith.constant 0 : i32
    %dma_start3A_11 = tpu.memref_slice %arg2[%dma_start3A_9, %dma_start3A_10] : memref<1024x64xf32, #tpu.memory_space<hbm>> -> memref<1024x64xf32, #tpu.memory_space<hbm>>
    tpu.enqueue_indirect_dma source(%dma_start3A_11 : memref<1024x64xf32, #tpu.memory_space<hbm>>) target(%dma_start3A_5 : memref<64x64xf32, #tpu.memory_space<vmem>>) offsets(%dma_start3A_8 : memref<64xi32, #tpu.memory_space<vmem>>) semaphore(%arg7 : memref<!tpu.dma_semaphore, #tpu.memory_space<semaphore_mem>>)
    %dma_start3A_12 = arith.constant 1 : i32
    %dma_start3A_13 = arith.constant 64 : i32
    %dma_start3A_14 = arith.constant 0 : i32
    %dma_start3A_15 = tpu.memref_slice %arg6[%dma_start3A_13, %dma_start3A_14] : memref<576x64xf32, #tpu.memory_space<vmem>> -> memref<64x64xf32, #tpu.memory_space<vmem>>
    %dma_start3A_16 = arith.constant 0 : i32
    %dma_start3A_17 = tpu.memref_slice %arg5[%dma_start3A_12, %dma_start3A_16] : memref<9x64xi32, #tpu.memory_space<vmem>> -> memref<1x64xi32, #tpu.memory_space<vmem>>
    %dma_start3A_18 = tpu.memref_squeeze %dma_start3A_17 : memref<1x64xi32, #tpu.memory_space<vmem>> -> memref<64xi32, #tpu.memory_space<vmem>>
    %dma_start3A_19 = arith.constant 0 : i32
    %dma_start3A_20 = arith.constant 0 : i32
    %dma_start3A_21 = tpu.memref_slice %arg2[%dma_start3A_19, %dma_start3A_20] : memref<1024x64xf32, #tpu.memory_space<hbm>> -> memref<1024x64xf32, #tpu.memory_space<hbm>>
    tpu.enqueue_indirect_dma source(%dma_start3A_21 : memref<1024x64xf32, #tpu.memory_space<hbm>>) target(%dma_start3A_15 : memref<64x64xf32, #tpu.memory_space<vmem>>) offsets(%dma_start3A_18 : memref<64xi32, #tpu.memory_space<vmem>>) semaphore(%arg7 : memref<!tpu.dma_semaphore, #tpu.memory_space<semaphore_mem>>)
    %dma_start3A_22 = arith.constant 2 : i32
    %dma_start3A_23 = arith.constant 128 : i32
    %dma_start3A_24 = arith.constant 0 : i32
    %dma_start3A_25 = tpu.memref_slice %arg6[%dma_start3A_23, %dma_start3A_24] : memref<576x64xf32, #tpu.memory_space<vmem>> -> memref<64x64xf32, #tpu.memory_space<vmem>>
    %dma_start3A_26 = arith.constant 0 : i32
    %dma_start3A_27 = tpu.memref_slice %arg5[%dma_start3A_22, %dma_start3A_26] : memref<9x64xi32, #tpu.memory_space<vmem>> -> memref<1x64xi32, #tpu.memory_space<vmem>>
    %dma_start3A_28 = tpu.memref_squeeze %dma_start3A_27 : memref<1x64xi32, #tpu.memory_space<vmem>> -> memref<64xi32, #tpu.memory_space<vmem>>
    %dma_start3A_29 = arith.constant 0 : i32
    %dma_start3A_30 = arith.constant 0 : i32
    %dma_start3A_31 = tpu.memref_slice %arg2[%dma_start3A_29, %dma_start3A_30] : memref<1024x64xf32, #tpu.memory_space<hbm>> -> memref<1024x64xf32, #tpu.memory_space<hbm>>
    tpu.enqueue_indirect_dma source(%dma_start3A_31 : memref<1024x64xf32, #tpu.memory_space<hbm>>) target(%dma_start3A_25 : memref<64x64xf32, #tpu.memory_space<vmem>>) offsets(%dma_start3A_28 : memref<64xi32, #tpu.memory_space<vmem>>) semaphore(%arg7 : memref<!tpu.dma_semaphore, #tpu.memory_space<semaphore_mem>>)
    %dma_start3A_32 = arith.constant 3 : i32
    %dma_start3A_33 = arith.constant 192 : i32
    %dma_start3A_34 = arith.constant 0 : i32
    %dma_start3A_35 = tpu.memref_slice %arg6[%dma_start3A_33, %dma_start3A_34] : memref<576x64xf32, #tpu.memory_space<vmem>> -> memref<64x64xf32, #tpu.memory_space<vmem>>
    %dma_start3A_36 = arith.constant 0 : i32
    %dma_start3A_37 = tpu.memref_slice %arg5[%dma_start3A_32, %dma_start3A_36] : memref<9x64xi32, #tpu.memory_space<vmem>> -> memref<1x64xi32, #tpu.memory_space<vmem>>
    %dma_start3A_38 = tpu.memref_squeeze %dma_start3A_37 : memref<1x64xi32, #tpu.memory_space<vmem>> -> memref<64xi32, #tpu.memory_space<vmem>>
    %dma_start3A_39 = arith.constant 0 : i32
    %dma_start3A_40 = arith.constant 0 : i32
    %dma_start3A_41 = tpu.memref_slice %arg2[%dma_start3A_39, %dma_start3A_40] : memref<1024x64xf32, #tpu.memory_space<hbm>> -> memref<1024x64xf32, #tpu.memory_space<hbm>>
    tpu.enqueue_indirect_dma source(%dma_start3A_41 : memref<1024x64xf32, #tpu.memory_space<hbm>>) target(%dma_start3A_35 : memref<64x64xf32, #tpu.memory_space<vmem>>) offsets(%dma_start3A_38 : memref<64xi32, #tpu.memory_space<vmem>>) semaphore(%arg7 : memref<!tpu.dma_semaphore, #tpu.memory_space<semaphore_mem>>)
    %dma_start3A_42 = arith.constant 4 : i32
    %dma_start3A_43 = arith.constant 256 : i32
    %dma_start3A_44 = arith.constant 0 : i32
    %dma_start3A_45 = tpu.memref_slice %arg6[%dma_start3A_43, %dma_start3A_44] : memref<576x64xf32, #tpu.memory_space<vmem>> -> memref<64x64xf32, #tpu.memory_space<vmem>>
    %dma_start3A_46 = arith.constant 0 : i32
    %dma_start3A_47 = tpu.memref_slice %arg5[%dma_start3A_42, %dma_start3A_46] : memref<9x64xi32, #tpu.memory_space<vmem>> -> memref<1x64xi32, #tpu.memory_space<vmem>>
    %dma_start3A_48 = tpu.memref_squeeze %dma_start3A_47 : memref<1x64xi32, #tpu.memory_space<vmem>> -> memref<64xi32, #tpu.memory_space<vmem>>
    %dma_start3A_49 = arith.constant 0 : i32
    %dma_start3A_50 = arith.constant 0 : i32
    %dma_start3A_51 = tpu.memref_slice %arg2[%dma_start3A_49, %dma_start3A_50] : memref<1024x64xf32, #tpu.memory_space<hbm>> -> memref<1024x64xf32, #tpu.memory_space<hbm>>
    tpu.enqueue_indirect_dma source(%dma_start3A_51 : memref<1024x64xf32, #tpu.memory_space<hbm>>) target(%dma_start3A_45 : memref<64x64xf32, #tpu.memory_space<vmem>>) offsets(%dma_start3A_48 : memref<64xi32, #tpu.memory_space<vmem>>) semaphore(%arg7 : memref<!tpu.dma_semaphore, #tpu.memory_space<semaphore_mem>>)
    %dma_start3A_52 = arith.constant 5 : i32
    %dma_start3A_53 = arith.constant 320 : i32
    %dma_start3A_54 = arith.constant 0 : i32
    %dma_start3A_55 = tpu.memref_slice %arg6[%dma_start3A_53, %dma_start3A_54] : memref<576x64xf32, #tpu.memory_space<vmem>> -> memref<64x64xf32, #tpu.memory_space<vmem>>
    %dma_start3A_56 = arith.constant 0 : i32
    %dma_start3A_57 = tpu.memref_slice %arg5[%dma_start3A_52, %dma_start3A_56] : memref<9x64xi32, #tpu.memory_space<vmem>> -> memref<1x64xi32, #tpu.memory_space<vmem>>
    %dma_start3A_58 = tpu.memref_squeeze %dma_start3A_57 : memref<1x64xi32, #tpu.memory_space<vmem>> -> memref<64xi32, #tpu.memory_space<vmem>>
    %dma_start3A_59 = arith.constant 0 : i32
    %dma_start3A_60 = arith.constant 0 : i32
    %dma_start3A_61 = tpu.memref_slice %arg2[%dma_start3A_59, %dma_start3A_60] : memref<1024x64xf32, #tpu.memory_space<hbm>> -> memref<1024x64xf32, #tpu.memory_space<hbm>>
    tpu.enqueue_indirect_dma source(%dma_start3A_61 : memref<1024x64xf32, #tpu.memory_space<hbm>>) target(%dma_start3A_55 : memref<64x64xf32, #tpu.memory_space<vmem>>) offsets(%dma_start3A_58 : memref<64xi32, #tpu.memory_space<vmem>>) semaphore(%arg7 : memref<!tpu.dma_semaphore, #tpu.memory_space<semaphore_mem>>)
    %dma_start3A_62 = arith.constant 6 : i32
    %dma_start3A_63 = arith.constant 384 : i32
    %dma_start3A_64 = arith.constant 0 : i32
    %dma_start3A_65 = tpu.memref_slice %arg6[%dma_start3A_63, %dma_start3A_64] : memref<576x64xf32, #tpu.memory_space<vmem>> -> memref<64x64xf32, #tpu.memory_space<vmem>>
    %dma_start3A_66 = arith.constant 0 : i32
    %dma_start3A_67 = tpu.memref_slice %arg5[%dma_start3A_62, %dma_start3A_66] : memref<9x64xi32, #tpu.memory_space<vmem>> -> memref<1x64xi32, #tpu.memory_space<vmem>>
    %dma_start3A_68 = tpu.memref_squeeze %dma_start3A_67 : memref<1x64xi32, #tpu.memory_space<vmem>> -> memref<64xi32, #tpu.memory_space<vmem>>
    %dma_start3A_69 = arith.constant 0 : i32
    %dma_start3A_70 = arith.constant 0 : i32
    %dma_start3A_71 = tpu.memref_slice %arg2[%dma_start3A_69, %dma_start3A_70] : memref<1024x64xf32, #tpu.memory_space<hbm>> -> memref<1024x64xf32, #tpu.memory_space<hbm>>
    tpu.enqueue_indirect_dma source(%dma_start3A_71 : memref<1024x64xf32, #tpu.memory_space<hbm>>) target(%dma_start3A_65 : memref<64x64xf32, #tpu.memory_space<vmem>>) offsets(%dma_start3A_68 : memref<64xi32, #tpu.memory_space<vmem>>) semaphore(%arg7 : memref<!tpu.dma_semaphore, #tpu.memory_space<semaphore_mem>>)
    %dma_start3A_72 = arith.constant 7 : i32
    %dma_start3A_73 = arith.constant 448 : i32
    %dma_start3A_74 = arith.constant 0 : i32
    %dma_start3A_75 = tpu.memref_slice %arg6[%dma_start3A_73, %dma_start3A_74] : memref<576x64xf32, #tpu.memory_space<vmem>> -> memref<64x64xf32, #tpu.memory_space<vmem>>
    %dma_start3A_76 = arith.constant 0 : i32
    %dma_start3A_77 = tpu.memref_slice %arg5[%dma_start3A_72, %dma_start3A_76] : memref<9x64xi32, #tpu.memory_space<vmem>> -> memref<1x64xi32, #tpu.memory_space<vmem>>
    %dma_start3A_78 = tpu.memref_squeeze %dma_start3A_77 : memref<1x64xi32, #tpu.memory_space<vmem>> -> memref<64xi32, #tpu.memory_space<vmem>>
    %dma_start3A_79 = arith.constant 0 : i32
    %dma_start3A_80 = arith.constant 0 : i32
    %dma_start3A_81 = tpu.memref_slice %arg2[%dma_start3A_79, %dma_start3A_80] : memref<1024x64xf32, #tpu.memory_space<hbm>> -> memref<1024x64xf32, #tpu.memory_space<hbm>>
    tpu.enqueue_indirect_dma source(%dma_start3A_81 : memref<1024x64xf32, #tpu.memory_space<hbm>>) target(%dma_start3A_75 : memref<64x64xf32, #tpu.memory_space<vmem>>) offsets(%dma_start3A_78 : memref<64xi32, #tpu.memory_space<vmem>>) semaphore(%arg7 : memref<!tpu.dma_semaphore, #tpu.memory_space<semaphore_mem>>)
    %dma_start3A_82 = arith.constant 8 : i32
    %dma_start3A_83 = arith.constant 512 : i32
    %dma_start3A_84 = arith.constant 0 : i32
    %dma_start3A_85 = tpu.memref_slice %arg6[%dma_start3A_83, %dma_start3A_84] : memref<576x64xf32, #tpu.memory_space<vmem>> -> memref<64x64xf32, #tpu.memory_space<vmem>>
    %dma_start3A_86 = arith.constant 0 : i32
    %dma_start3A_87 = tpu.memref_slice %arg5[%dma_start3A_82, %dma_start3A_86] : memref<9x64xi32, #tpu.memory_space<vmem>> -> memref<1x64xi32, #tpu.memory_space<vmem>>
    %dma_start3A_88 = tpu.memref_squeeze %dma_start3A_87 : memref<1x64xi32, #tpu.memory_space<vmem>> -> memref<64xi32, #tpu.memory_space<vmem>>
    %dma_start3A_89 = arith.constant 0 : i32
    %dma_start3A_90 = arith.constant 0 : i32
    %dma_start3A_91 = tpu.memref_slice %arg2[%dma_start3A_89, %dma_start3A_90] : memref<1024x64xf32, #tpu.memory_space<hbm>> -> memref<1024x64xf32, #tpu.memory_space<hbm>>
    tpu.enqueue_indirect_dma source(%dma_start3A_91 : memref<1024x64xf32, #tpu.memory_space<hbm>>) target(%dma_start3A_85 : memref<64x64xf32, #tpu.memory_space<vmem>>) offsets(%dma_start3A_88 : memref<64xi32, #tpu.memory_space<vmem>>) semaphore(%arg7 : memref<!tpu.dma_semaphore, #tpu.memory_space<semaphore_mem>>)
    %dma_wait3A = arith.constant 0 : i32
    %dma_wait3A_92 = arith.constant 0 : i32
    %dma_wait3A_93 = arith.constant 0 : i32
    %dma_wait3A_94 = tpu.memref_slice %arg6[%dma_wait3A_92, %dma_wait3A_93] : memref<576x64xf32, #tpu.memory_space<vmem>> -> memref<64x64xf32, #tpu.memory_space<vmem>>
    %dma_wait3A_95 = arith.constant 0 : i32
    %dma_wait3A_96 = tpu.memref_slice %arg5[%dma_wait3A, %dma_wait3A_95] : memref<9x64xi32, #tpu.memory_space<vmem>> -> memref<1x64xi32, #tpu.memory_space<vmem>>
    %dma_wait3A_97 = tpu.memref_squeeze %dma_wait3A_96 : memref<1x64xi32, #tpu.memory_space<vmem>> -> memref<64xi32, #tpu.memory_space<vmem>>
    %dma_wait3A_98 = arith.constant 0 : i32
    %dma_wait3A_99 = arith.constant 0 : i32
    %dma_wait3A_100 = tpu.memref_slice %arg2[%dma_wait3A_98, %dma_wait3A_99] : memref<1024x64xf32, #tpu.memory_space<hbm>> -> memref<1024x64xf32, #tpu.memory_space<hbm>>
    tpu.wait_indirect_dma semaphore(%arg7 : memref<!tpu.dma_semaphore, #tpu.memory_space<semaphore_mem>>) src(%dma_wait3A_100 : memref<1024x64xf32, #tpu.memory_space<hbm>>) dst(%dma_wait3A_94 : memref<64x64xf32, #tpu.memory_space<vmem>>)
    %dma_wait3A_101 = arith.constant 1 : i32
    %dma_wait3A_102 = arith.constant 64 : i32
    %dma_wait3A_103 = arith.constant 0 : i32
    %dma_wait3A_104 = tpu.memref_slice %arg6[%dma_wait3A_102, %dma_wait3A_103] : memref<576x64xf32, #tpu.memory_space<vmem>> -> memref<64x64xf32, #tpu.memory_space<vmem>>
    %dma_wait3A_105 = arith.constant 0 : i32
    %dma_wait3A_106 = tpu.memref_slice %arg5[%dma_wait3A_101, %dma_wait3A_105] : memref<9x64xi32, #tpu.memory_space<vmem>> -> memref<1x64xi32, #tpu.memory_space<vmem>>
    %dma_wait3A_107 = tpu.memref_squeeze %dma_wait3A_106 : memref<1x64xi32, #tpu.memory_space<vmem>> -> memref<64xi32, #tpu.memory_space<vmem>>
    %dma_wait3A_108 = arith.constant 0 : i32
    %dma_wait3A_109 = arith.constant 0 : i32
    %dma_wait3A_110 = tpu.memref_slice %arg2[%dma_wait3A_108, %dma_wait3A_109] : memref<1024x64xf32, #tpu.memory_space<hbm>> -> memref<1024x64xf32, #tpu.memory_space<hbm>>
    tpu.wait_indirect_dma semaphore(%arg7 : memref<!tpu.dma_semaphore, #tpu.memory_space<semaphore_mem>>) src(%dma_wait3A_110 : memref<1024x64xf32, #tpu.memory_space<hbm>>) dst(%dma_wait3A_104 : memref<64x64xf32, #tpu.memory_space<vmem>>)
    %dma_wait3A_111 = arith.constant 2 : i32
    %dma_wait3A_112 = arith.constant 128 : i32
    %dma_wait3A_113 = arith.constant 0 : i32
    %dma_wait3A_114 = tpu.memref_slice %arg6[%dma_wait3A_112, %dma_wait3A_113] : memref<576x64xf32, #tpu.memory_space<vmem>> -> memref<64x64xf32, #tpu.memory_space<vmem>>
    %dma_wait3A_115 = arith.constant 0 : i32
    %dma_wait3A_116 = tpu.memref_slice %arg5[%dma_wait3A_111, %dma_wait3A_115] : memref<9x64xi32, #tpu.memory_space<vmem>> -> memref<1x64xi32, #tpu.memory_space<vmem>>
    %dma_wait3A_117 = tpu.memref_squeeze %dma_wait3A_116 : memref<1x64xi32, #tpu.memory_space<vmem>> -> memref<64xi32, #tpu.memory_space<vmem>>
    %dma_wait3A_118 = arith.constant 0 : i32
    %dma_wait3A_119 = arith.constant 0 : i32
    %dma_wait3A_120 = tpu.memref_slice %arg2[%dma_wait3A_118, %dma_wait3A_119] : memref<1024x64xf32, #tpu.memory_space<hbm>> -> memref<1024x64xf32, #tpu.memory_space<hbm>>
    tpu.wait_indirect_dma semaphore(%arg7 : memref<!tpu.dma_semaphore, #tpu.memory_space<semaphore_mem>>) src(%dma_wait3A_120 : memref<1024x64xf32, #tpu.memory_space<hbm>>) dst(%dma_wait3A_114 : memref<64x64xf32, #tpu.memory_space<vmem>>)
    %dma_wait3A_121 = arith.constant 3 : i32
    %dma_wait3A_122 = arith.constant 192 : i32
    %dma_wait3A_123 = arith.constant 0 : i32
    %dma_wait3A_124 = tpu.memref_slice %arg6[%dma_wait3A_122, %dma_wait3A_123] : memref<576x64xf32, #tpu.memory_space<vmem>> -> memref<64x64xf32, #tpu.memory_space<vmem>>
    %dma_wait3A_125 = arith.constant 0 : i32
    %dma_wait3A_126 = tpu.memref_slice %arg5[%dma_wait3A_121, %dma_wait3A_125] : memref<9x64xi32, #tpu.memory_space<vmem>> -> memref<1x64xi32, #tpu.memory_space<vmem>>
    %dma_wait3A_127 = tpu.memref_squeeze %dma_wait3A_126 : memref<1x64xi32, #tpu.memory_space<vmem>> -> memref<64xi32, #tpu.memory_space<vmem>>
    %dma_wait3A_128 = arith.constant 0 : i32
    %dma_wait3A_129 = arith.constant 0 : i32
    %dma_wait3A_130 = tpu.memref_slice %arg2[%dma_wait3A_128, %dma_wait3A_129] : memref<1024x64xf32, #tpu.memory_space<hbm>> -> memref<1024x64xf32, #tpu.memory_space<hbm>>
    tpu.wait_indirect_dma semaphore(%arg7 : memref<!tpu.dma_semaphore, #tpu.memory_space<semaphore_mem>>) src(%dma_wait3A_130 : memref<1024x64xf32, #tpu.memory_space<hbm>>) dst(%dma_wait3A_124 : memref<64x64xf32, #tpu.memory_space<vmem>>)
    %dma_wait3A_131 = arith.constant 4 : i32
    %dma_wait3A_132 = arith.constant 256 : i32
    %dma_wait3A_133 = arith.constant 0 : i32
    %dma_wait3A_134 = tpu.memref_slice %arg6[%dma_wait3A_132, %dma_wait3A_133] : memref<576x64xf32, #tpu.memory_space<vmem>> -> memref<64x64xf32, #tpu.memory_space<vmem>>
    %dma_wait3A_135 = arith.constant 0 : i32
    %dma_wait3A_136 = tpu.memref_slice %arg5[%dma_wait3A_131, %dma_wait3A_135] : memref<9x64xi32, #tpu.memory_space<vmem>> -> memref<1x64xi32, #tpu.memory_space<vmem>>
    %dma_wait3A_137 = tpu.memref_squeeze %dma_wait3A_136 : memref<1x64xi32, #tpu.memory_space<vmem>> -> memref<64xi32, #tpu.memory_space<vmem>>
    %dma_wait3A_138 = arith.constant 0 : i32
    %dma_wait3A_139 = arith.constant 0 : i32
    %dma_wait3A_140 = tpu.memref_slice %arg2[%dma_wait3A_138, %dma_wait3A_139] : memref<1024x64xf32, #tpu.memory_space<hbm>> -> memref<1024x64xf32, #tpu.memory_space<hbm>>
    tpu.wait_indirect_dma semaphore(%arg7 : memref<!tpu.dma_semaphore, #tpu.memory_space<semaphore_mem>>) src(%dma_wait3A_140 : memref<1024x64xf32, #tpu.memory_space<hbm>>) dst(%dma_wait3A_134 : memref<64x64xf32, #tpu.memory_space<vmem>>)
    %dma_wait3A_141 = arith.constant 5 : i32
    %dma_wait3A_142 = arith.constant 320 : i32
    %dma_wait3A_143 = arith.constant 0 : i32
    %dma_wait3A_144 = tpu.memref_slice %arg6[%dma_wait3A_142, %dma_wait3A_143] : memref<576x64xf32, #tpu.memory_space<vmem>> -> memref<64x64xf32, #tpu.memory_space<vmem>>
    %dma_wait3A_145 = arith.constant 0 : i32
    %dma_wait3A_146 = tpu.memref_slice %arg5[%dma_wait3A_141, %dma_wait3A_145] : memref<9x64xi32, #tpu.memory_space<vmem>> -> memref<1x64xi32, #tpu.memory_space<vmem>>
    %dma_wait3A_147 = tpu.memref_squeeze %dma_wait3A_146 : memref<1x64xi32, #tpu.memory_space<vmem>> -> memref<64xi32, #tpu.memory_space<vmem>>
    %dma_wait3A_148 = arith.constant 0 : i32
    %dma_wait3A_149 = arith.constant 0 : i32
    %dma_wait3A_150 = tpu.memref_slice %arg2[%dma_wait3A_148, %dma_wait3A_149] : memref<1024x64xf32, #tpu.memory_space<hbm>> -> memref<1024x64xf32, #tpu.memory_space<hbm>>
    tpu.wait_indirect_dma semaphore(%arg7 : memref<!tpu.dma_semaphore, #tpu.memory_space<semaphore_mem>>) src(%dma_wait3A_150 : memref<1024x64xf32, #tpu.memory_space<hbm>>) dst(%dma_wait3A_144 : memref<64x64xf32, #tpu.memory_space<vmem>>)
    %dma_wait3A_151 = arith.constant 6 : i32
    %dma_wait3A_152 = arith.constant 384 : i32
    %dma_wait3A_153 = arith.constant 0 : i32
    %dma_wait3A_154 = tpu.memref_slice %arg6[%dma_wait3A_152, %dma_wait3A_153] : memref<576x64xf32, #tpu.memory_space<vmem>> -> memref<64x64xf32, #tpu.memory_space<vmem>>
    %dma_wait3A_155 = arith.constant 0 : i32
    %dma_wait3A_156 = tpu.memref_slice %arg5[%dma_wait3A_151, %dma_wait3A_155] : memref<9x64xi32, #tpu.memory_space<vmem>> -> memref<1x64xi32, #tpu.memory_space<vmem>>
    %dma_wait3A_157 = tpu.memref_squeeze %dma_wait3A_156 : memref<1x64xi32, #tpu.memory_space<vmem>> -> memref<64xi32, #tpu.memory_space<vmem>>
    %dma_wait3A_158 = arith.constant 0 : i32
    %dma_wait3A_159 = arith.constant 0 : i32
    %dma_wait3A_160 = tpu.memref_slice %arg2[%dma_wait3A_158, %dma_wait3A_159] : memref<1024x64xf32, #tpu.memory_space<hbm>> -> memref<1024x64xf32, #tpu.memory_space<hbm>>
    tpu.wait_indirect_dma semaphore(%arg7 : memref<!tpu.dma_semaphore, #tpu.memory_space<semaphore_mem>>) src(%dma_wait3A_160 : memref<1024x64xf32, #tpu.memory_space<hbm>>) dst(%dma_wait3A_154 : memref<64x64xf32, #tpu.memory_space<vmem>>)
    %dma_wait3A_161 = arith.constant 7 : i32
    %dma_wait3A_162 = arith.constant 448 : i32
    %dma_wait3A_163 = arith.constant 0 : i32
    %dma_wait3A_164 = tpu.memref_slice %arg6[%dma_wait3A_162, %dma_wait3A_163] : memref<576x64xf32, #tpu.memory_space<vmem>> -> memref<64x64xf32, #tpu.memory_space<vmem>>
    %dma_wait3A_165 = arith.constant 0 : i32
    %dma_wait3A_166 = tpu.memref_slice %arg5[%dma_wait3A_161, %dma_wait3A_165] : memref<9x64xi32, #tpu.memory_space<vmem>> -> memref<1x64xi32, #tpu.memory_space<vmem>>
    %dma_wait3A_167 = tpu.memref_squeeze %dma_wait3A_166 : memref<1x64xi32, #tpu.memory_space<vmem>> -> memref<64xi32, #tpu.memory_space<vmem>>
    %dma_wait3A_168 = arith.constant 0 : i32
    %dma_wait3A_169 = arith.constant 0 : i32
    %dma_wait3A_170 = tpu.memref_slice %arg2[%dma_wait3A_168, %dma_wait3A_169] : memref<1024x64xf32, #tpu.memory_space<hbm>> -> memref<1024x64xf32, #tpu.memory_space<hbm>>
    tpu.wait_indirect_dma semaphore(%arg7 : memref<!tpu.dma_semaphore, #tpu.memory_space<semaphore_mem>>) src(%dma_wait3A_170 : memref<1024x64xf32, #tpu.memory_space<hbm>>) dst(%dma_wait3A_164 : memref<64x64xf32, #tpu.memory_space<vmem>>)
    %dma_wait3A_171 = arith.constant 8 : i32
    %dma_wait3A_172 = arith.constant 512 : i32
    %dma_wait3A_173 = arith.constant 0 : i32
    %dma_wait3A_174 = tpu.memref_slice %arg6[%dma_wait3A_172, %dma_wait3A_173] : memref<576x64xf32, #tpu.memory_space<vmem>> -> memref<64x64xf32, #tpu.memory_space<vmem>>
    %dma_wait3A_175 = arith.constant 0 : i32
    %dma_wait3A_176 = tpu.memref_slice %arg5[%dma_wait3A_171, %dma_wait3A_175] : memref<9x64xi32, #tpu.memory_space<vmem>> -> memref<1x64xi32, #tpu.memory_space<vmem>>
    %dma_wait3A_177 = tpu.memref_squeeze %dma_wait3A_176 : memref<1x64xi32, #tpu.memory_space<vmem>> -> memref<64xi32, #tpu.memory_space<vmem>>
    %dma_wait3A_178 = arith.constant 0 : i32
    %dma_wait3A_179 = arith.constant 0 : i32
    %dma_wait3A_180 = tpu.memref_slice %arg2[%dma_wait3A_178, %dma_wait3A_179] : memref<1024x64xf32, #tpu.memory_space<hbm>> -> memref<1024x64xf32, #tpu.memory_space<hbm>>
    tpu.wait_indirect_dma semaphore(%arg7 : memref<!tpu.dma_semaphore, #tpu.memory_space<semaphore_mem>>) src(%dma_wait3A_180 : memref<1024x64xf32, #tpu.memory_space<hbm>>) dst(%dma_wait3A_174 : memref<64x64xf32, #tpu.memory_space<vmem>>)
    "tpu.region"() ({
      %run_scoped3A = tpu.sem_alloc : memref<!tpu.dma_semaphore, #tpu.memory_space<semaphore_mem>>
      %dma_start3A_181 = arith.constant 0 : i32
      %dma_start3A_182 = tpu.memref_slice %arg4[%mul3A_2, %dma_start3A_181] : memref<18432x64xf32, #tpu.memory_space<hbm>> -> memref<576x64xf32, #tpu.memory_space<hbm>>
      %dma_start3A_183 = arith.constant 0 : i32
      %dma_start3A_184 = tpu.memref_slice %arg4[%mul3A_2, %dma_start3A_183] : memref<18432x64xf32, #tpu.memory_space<hbm>> -> memref<576x64xf32, #tpu.memory_space<hbm>>
      tpu.enqueue_dma source(%arg6 : memref<576x64xf32, #tpu.memory_space<vmem>>) target(%dma_start3A_184 : memref<576x64xf32, #tpu.memory_space<hbm>>) target_semaphore(%run_scoped3A : memref<!tpu.dma_semaphore, #tpu.memory_space<semaphore_mem>>)
      %dma_wait3A_185 = arith.constant 0 : i32
      %dma_wait3A_186 = tpu.memref_slice %arg4[%mul3A_2, %dma_wait3A_185] : memref<18432x64xf32, #tpu.memory_space<hbm>> -> memref<576x64xf32, #tpu.memory_space<hbm>>
      %dma_wait3A_187 = arith.constant 0 : i32
      %dma_wait3A_188 = tpu.memref_slice %arg4[%mul3A_2, %dma_wait3A_187] : memref<18432x64xf32, #tpu.memory_space<hbm>> -> memref<576x64xf32, #tpu.memory_space<hbm>>
      tpu.wait_dma2 semaphore(%run_scoped3A : memref<!tpu.dma_semaphore, #tpu.memory_space<semaphore_mem>>) src(%arg6 : memref<576x64xf32, #tpu.memory_space<vmem>>) dst(%dma_wait3A_188 : memref<576x64xf32, #tpu.memory_space<hbm>>)
      tpu.yield
    }) : () -> ()
    return
  }
}

module attributes {stable_mosaic.version = 14 : i64} {
  func.func @_tc_body(%arg0: i32, %arg1: memref<3072x64xf32, #tpu.memory_space<vmem>>, %arg2: memref<1024x64xf32, #tpu.memory_space<vmem>>, %arg3: memref<1x1024xf32, #tpu.memory_space<vmem>>, %arg4: memref<3072x1024xf32, #tpu.memory_space<vmem>>, %arg5: memref<3072x1xi32, #tpu.memory_space<vmem>>, %arg6: memref<1x1xf32, #tpu.memory_space<smem>>) attributes {dimension_semantics = [#tpu.dimension_semantics<arbitrary>], iteration_bounds = array<i64: 6>, scalar_prefetch = 0 : i64, scratch_operands = 0 : i64, tpu.core_type = #tpu.core_type<tc>, window_params = [{transform_indices = @transform_0, window_bounds = array<i64: 3072, 64>}, {pipeline_mode = #tpu.pipeline_mode<synchronous>, transform_indices = @transform_1, window_bounds = array<i64: 1024, 64>}, {pipeline_mode = #tpu.pipeline_mode<synchronous>, transform_indices = @transform_2, window_bounds = array<i64: 1, 1024>}, {transform_indices = @transform_3, window_bounds = array<i64: 3072, 1024>}, {transform_indices = @transform_4, window_bounds = array<i64: 3072, 1>}, {transform_indices = @transform_5, window_bounds = array<i64: 1, 1>}]} {
    %get3A = arith.constant 0 : index
    %get3A_0 = arith.constant 0 : index
    %get3A_1 = vector.load %arg2[%get3A, %get3A_0] : memref<1024x64xf32, #tpu.memory_space<vmem>>, vector<1024x64xf32>
    %get3A_2 = arith.constant 0 : index
    %get3A_3 = arith.constant 0 : index
    %get3A_4 = vector.load %arg3[%get3A_2, %get3A_3] : memref<1x1024xf32, #tpu.memory_space<vmem>>, vector<1x1024xf32>
    %get3A_5 = arith.constant 0 : index
    %get3A_6 = arith.constant 0 : index
    %get3A_7 = vector.load %arg1[%get3A_5, %get3A_6] : memref<3072x64xf32, #tpu.memory_space<vmem>>, vector<3072x64xf32>
    %eq3A = arith.constant 0 : i32
    %eq3A_8 = arith.cmpi eq, %arg0, %eq3A : i32
    %convert_element_type3A = arith.extui %eq3A_8 : i1 to i32
    %cond3A = arith.constant 0 : i32
    %cond3A_9 = arith.cmpi ne, %convert_element_type3A, %cond3A : i32
    scf.if %cond3A_9 {
      %swap3A_88 = arith.constant 0.000000e+00 : f32
      %swap3A_89 = arith.constant 0 : index
      %swap3A_90 = arith.constant 0 : index
      %swap3A_91 = memref.load %arg6[%swap3A_89, %swap3A_90] : memref<1x1xf32, #tpu.memory_space<smem>>
      memref.store %swap3A_88, %arg6[%swap3A_89, %swap3A_90] : memref<1x1xf32, #tpu.memory_space<smem>>
    } else {
    }
    %mul3A = arith.mulf %get3A_7, %get3A_7 : vector<3072x64xf32>
    %reduce_sum3A = arith.constant dense<0.000000e+00> : vector<3072xf32>
    %reduce_sum3A_10 = vector.multi_reduction <add>, %mul3A, %reduce_sum3A [1] : vector<3072x64xf32> to vector<3072xf32>
    %broadcast_in_dim3A = vector.shape_cast %reduce_sum3A_10 : vector<3072xf32> to vector<3072x1xf32>
    %dot_general3A = arith.constant dense<0.000000e+00> : vector<3072x1024xf32>
    %dot_general3A_11 = tpu.matmul %get3A_7, %get3A_1, %dot_general3A {dimension_numbers = #tpu.dot_dimension_numbers<[1], [1], [0], [0], [0, 0, 1, 0], [], []>, transpose_lhs_hint = false} : vector<3072x64xf32>, vector<1024x64xf32>, vector<3072x1024xf32> -> vector<3072x1024xf32>
    %mul3A_12 = arith.constant 2.000000e+00 : f32
    %mul3A_13 = vector.broadcast %mul3A_12 : f32 to vector<3072x1024xf32>
    %mul3A_14 = arith.mulf %mul3A_13, %dot_general3A_11 : vector<3072x1024xf32>
    %sub3A = vector.broadcast %broadcast_in_dim3A : vector<3072x1xf32> to vector<3072x1024xf32>
    %sub3A_15 = arith.subf %sub3A, %mul3A_14 : vector<3072x1024xf32>
    %add3A = vector.broadcast %get3A_4 : vector<1x1024xf32> to vector<3072x1024xf32>
    %add3A_16 = arith.addf %sub3A_15, %add3A : vector<3072x1024xf32>
    %swap3A = arith.constant 0 : index
    %swap3A_17 = arith.constant 0 : index
    %swap3A_18 = vector.load %arg4[%swap3A, %swap3A_17] : memref<3072x1024xf32, #tpu.memory_space<vmem>>, vector<3072x1024xf32>
    tpu.vector_store %arg4[%swap3A, %swap3A_17], %add3A_16 {strides = array<i32>} : memref<3072x1024xf32, #tpu.memory_space<vmem>>, vector<3072x1024xf32>,
    %slice3A = vector.extract_strided_slice %add3A_16 {offsets = [0, 0], sizes = [3072, 128], strides = [1, 1]} : vector<3072x1024xf32> to vector<3072x128xf32>
    %broadcast_in_dim3A_19 = arith.constant 0 : i32
    %broadcast_in_dim3A_20 = vector.broadcast %broadcast_in_dim3A_19 : i32 to vector<3072x128xi32>
    %slice3A_21 = vector.extract_strided_slice %add3A_16 {offsets = [0, 128], sizes = [3072, 128], strides = [1, 1]} : vector<3072x1024xf32> to vector<3072x128xf32>
    %lt3A = arith.cmpf olt, %slice3A_21, %slice3A : vector<3072x128xf32>
    %min3A = arith.minimumf %slice3A, %slice3A_21 : vector<3072x128xf32>
    %jit3A = arith.constant 1 : i32
    %broadcast_in_dim3A_22 = vector.broadcast %jit3A : i32 to vector<3072x128xi32>
    %select_n3A = arith.select %lt3A, %broadcast_in_dim3A_22, %broadcast_in_dim3A_20 : vector<3072x128xi1>, vector<3072x128xi32>
    %slice3A_23 = vector.extract_strided_slice %add3A_16 {offsets = [0, 256], sizes = [3072, 128], strides = [1, 1]} : vector<3072x1024xf32> to vector<3072x128xf32>
    %lt3A_24 = arith.cmpf olt, %slice3A_23, %min3A : vector<3072x128xf32>
    %min3A_25 = arith.minimumf %min3A, %slice3A_23 : vector<3072x128xf32>
    %jit3A_26 = arith.constant 2 : i32
    %broadcast_in_dim3A_27 = vector.broadcast %jit3A_26 : i32 to vector<3072x128xi32>
    %select_n3A_28 = arith.select %lt3A_24, %broadcast_in_dim3A_27, %select_n3A : vector<3072x128xi1>, vector<3072x128xi32>
    %slice3A_29 = vector.extract_strided_slice %add3A_16 {offsets = [0, 384], sizes = [3072, 128], strides = [1, 1]} : vector<3072x1024xf32> to vector<3072x128xf32>
    %lt3A_30 = arith.cmpf olt, %slice3A_29, %min3A_25 : vector<3072x128xf32>
    %min3A_31 = arith.minimumf %min3A_25, %slice3A_29 : vector<3072x128xf32>
    %jit3A_32 = arith.constant 3 : i32
    %broadcast_in_dim3A_33 = vector.broadcast %jit3A_32 : i32 to vector<3072x128xi32>
    %select_n3A_34 = arith.select %lt3A_30, %broadcast_in_dim3A_33, %select_n3A_28 : vector<3072x128xi1>, vector<3072x128xi32>
    %slice3A_35 = vector.extract_strided_slice %add3A_16 {offsets = [0, 512], sizes = [3072, 128], strides = [1, 1]} : vector<3072x1024xf32> to vector<3072x128xf32>
    %lt3A_36 = arith.cmpf olt, %slice3A_35, %min3A_31 : vector<3072x128xf32>
    %min3A_37 = arith.minimumf %min3A_31, %slice3A_35 : vector<3072x128xf32>
    %jit3A_38 = arith.constant 4 : i32
    %broadcast_in_dim3A_39 = vector.broadcast %jit3A_38 : i32 to vector<3072x128xi32>
    %select_n3A_40 = arith.select %lt3A_36, %broadcast_in_dim3A_39, %select_n3A_34 : vector<3072x128xi1>, vector<3072x128xi32>
    %slice3A_41 = vector.extract_strided_slice %add3A_16 {offsets = [0, 640], sizes = [3072, 128], strides = [1, 1]} : vector<3072x1024xf32> to vector<3072x128xf32>
    %lt3A_42 = arith.cmpf olt, %slice3A_41, %min3A_37 : vector<3072x128xf32>
    %min3A_43 = arith.minimumf %min3A_37, %slice3A_41 : vector<3072x128xf32>
    %jit3A_44 = arith.constant 5 : i32
    %broadcast_in_dim3A_45 = vector.broadcast %jit3A_44 : i32 to vector<3072x128xi32>
    %select_n3A_46 = arith.select %lt3A_42, %broadcast_in_dim3A_45, %select_n3A_40 : vector<3072x128xi1>, vector<3072x128xi32>
    %slice3A_47 = vector.extract_strided_slice %add3A_16 {offsets = [0, 768], sizes = [3072, 128], strides = [1, 1]} : vector<3072x1024xf32> to vector<3072x128xf32>
    %lt3A_48 = arith.cmpf olt, %slice3A_47, %min3A_43 : vector<3072x128xf32>
    %min3A_49 = arith.minimumf %min3A_43, %slice3A_47 : vector<3072x128xf32>
    %jit3A_50 = arith.constant 6 : i32
    %broadcast_in_dim3A_51 = vector.broadcast %jit3A_50 : i32 to vector<3072x128xi32>
    %select_n3A_52 = arith.select %lt3A_48, %broadcast_in_dim3A_51, %select_n3A_46 : vector<3072x128xi1>, vector<3072x128xi32>
    %slice3A_53 = vector.extract_strided_slice %add3A_16 {offsets = [0, 896], sizes = [3072, 128], strides = [1, 1]} : vector<3072x1024xf32> to vector<3072x128xf32>
    %lt3A_54 = arith.cmpf olt, %slice3A_53, %min3A_49 : vector<3072x128xf32>
    %min3A_55 = arith.minimumf %min3A_49, %slice3A_53 : vector<3072x128xf32>
    %jit3A_56 = arith.constant 7 : i32
    %broadcast_in_dim3A_57 = vector.broadcast %jit3A_56 : i32 to vector<3072x128xi32>
    %select_n3A_58 = arith.select %lt3A_54, %broadcast_in_dim3A_57, %select_n3A_52 : vector<3072x128xi1>, vector<3072x128xi32>
    %reduce_min3A = arith.constant dense<0x7F800000> : vector<3072xf32>
    %reduce_min3A_59 = vector.multi_reduction <minimumf>, %min3A_55, %reduce_min3A [1] : vector<3072x128xf32> to vector<3072xf32>
    %broadcast_in_dim3A_60 = vector.shape_cast %reduce_min3A_59 : vector<3072xf32> to vector<3072x1xf32>
    %mul3A_61 = arith.constant 128 : i32
    %mul3A_62 = vector.broadcast %mul3A_61 : i32 to vector<3072x128xi32>
    %mul3A_63 = arith.muli %select_n3A_58, %mul3A_62 : vector<3072x128xi32>
    %iota3A = tpu.iota {dimensions = array<i32: 1>} : vector<3072x128xi32>
    %add3A_64 = arith.addi %mul3A_63, %iota3A : vector<3072x128xi32>
    %eq3A_65 = vector.broadcast %broadcast_in_dim3A_60 : vector<3072x1xf32> to vector<3072x128xf32>
    %eq3A_66 = arith.cmpf oeq, %min3A_55, %eq3A_65 : vector<3072x128xf32>
    %jit3A_67 = arith.constant 1024 : i32
    %broadcast_in_dim3A_68 = vector.broadcast %jit3A_67 : i32 to vector<3072x128xi32>
    %select_n3A_69 = arith.select %eq3A_66, %add3A_64, %broadcast_in_dim3A_68 : vector<3072x128xi1>, vector<3072x128xi32>
    %reduce_min3A_70 = arith.constant dense<2147483647> : vector<3072xi32>
    %reduce_min3A_71 = vector.multi_reduction <minsi>, %select_n3A_69, %reduce_min3A_70 [1] : vector<3072x128xi32> to vector<3072xi32>
    %broadcast_in_dim3A_72 = vector.shape_cast %reduce_min3A_71 : vector<3072xi32> to vector<3072x1xi32>
    %swap3A_73 = arith.constant 0 : index
    %swap3A_74 = arith.constant 0 : index
    %swap3A_75 = vector.load %arg5[%swap3A_73, %swap3A_74] : memref<3072x1xi32, #tpu.memory_space<vmem>>, vector<3072x1xi32>
    tpu.vector_store %arg5[%swap3A_73, %swap3A_74], %broadcast_in_dim3A_72 {strides = array<i32>} : memref<3072x1xi32, #tpu.memory_space<vmem>>, vector<3072x1xi32>,
    %get3A_76 = arith.constant 0 : index
    %get3A_77 = arith.constant 0 : index
    %get3A_78 = memref.load %arg6[%get3A_76, %get3A_77] : memref<1x1xf32, #tpu.memory_space<smem>>
    %reduce_sum3A_79 = vector.shape_cast %broadcast_in_dim3A_60 : vector<3072x1xf32> to vector<1x3072x1xf32>
    %reduce_sum3A_80 = arith.constant dense<0.000000e+00> : vector<1xf32>
    %reduce_sum3A_81 = vector.multi_reduction <add>, %reduce_sum3A_79, %reduce_sum3A_80 [1, 2] : vector<1x3072x1xf32> to vector<1xf32>
    %reduce_sum3A_82 = vector.shape_cast %reduce_sum3A_81 : vector<1xf32> to vector<1x1x1xf32>
    %reduce_sum3A_83 = vector.extract %reduce_sum3A_82[0, 0, 0] : f32 from vector<1x1x1xf32>
    %add3A_84 = arith.addf %get3A_78, %reduce_sum3A_83 : f32
    %swap3A_85 = arith.constant 0 : index
    %swap3A_86 = arith.constant 0 : index
    %swap3A_87 = memref.load %arg6[%swap3A_85, %swap3A_86] : memref<1x1xf32, #tpu.memory_space<smem>>
    memref.store %add3A_84, %arg6[%swap3A_85, %swap3A_86] : memref<1x1xf32, #tpu.memory_space<smem>>
    return
  }
  func.func @transform_0(%arg0: i32) -> (i32, i32) {
    %c0_i32 = arith.constant 0 : i32
    %c0_i32_0 = arith.constant 0 : i32
    return %arg0, %c0_i32 : i32, i32
  }
  func.func @transform_1(%arg0: i32) -> (i32, i32) {
    %c0_i32 = arith.constant 0 : i32
    %c0_i32_0 = arith.constant 0 : i32
    %c0_i32_1 = arith.constant 0 : i32
    return %c0_i32, %c0_i32_0 : i32, i32
  }
  func.func @transform_2(%arg0: i32) -> (i32, i32) {
    %c0_i32 = arith.constant 0 : i32
    %c0_i32_0 = arith.constant 0 : i32
    %c0_i32_1 = arith.constant 0 : i32
    return %c0_i32, %c0_i32_0 : i32, i32
  }
  func.func @transform_3(%arg0: i32) -> (i32, i32) {
    %c0_i32 = arith.constant 0 : i32
    %c0_i32_0 = arith.constant 0 : i32
    return %arg0, %c0_i32 : i32, i32
  }
  func.func @transform_4(%arg0: i32) -> (i32, i32) {
    %c0_i32 = arith.constant 0 : i32
    %c0_i32_0 = arith.constant 0 : i32
    return %arg0, %c0_i32 : i32, i32
  }
  func.func @transform_5(%arg0: i32) -> (i32, i32) {
    %c0_i32 = arith.constant 0 : i32
    %c0_i32_0 = arith.constant 0 : i32
    %c0_i32_1 = arith.constant 0 : i32
    return %c0_i32, %c0_i32_0 : i32, i32
  }
}

</mosaic_0001>

<sc_bundles>
// kernel: kernel.4.cloned.1.call-start
scs
__scs_entry_jumppad:
0x0: {  	(pc) =	sbr.rel $0x88, $3  }
0x1: {  	(tag) =	ssettag $0x0;
	lr =	simm.s32 $0x1  }
0x2: {  	[smem:$0x3F9F] =	sst lr;
	_ =	strace $0xD0000000  }
0x3: {  	_ = 	snop  }
0x4: {  	_ = 	snop  }
0x5: {  	_ = 	snop  }
0x6: {  	_ = 	snop  }
0x7: {  	_ = 	snop  }
__scs_overlays_trampoline_lowered:
0x8: {  	[smem:$0x3FAE] =	sst s0  }
0x9: {  	[smem:$0x3FAF] =	sst s1  }
0xa: {  	[smem:$0x3FB0] =	sst s2  }
0xb: {  	[smem:$0x3FB1] =	sst s3  }
0xc: {  	[smem:$0x3FB2] =	sst s4  }
0xd: {  	[smem:$0x3FB3] =	sst s5  }
0xe: {  	[smem:$0x3FB4] =	sst s6  }
0xf: {  	[smem:$0x3FB5] =	sst s7  }
0x10: {  	[smem:$0x3FB6] =	sst s8  }
0x11: {  	[smem:$0x3FB7] =	sst s9;
	s0 =	simm.s32 @!p0 $0x0  }
0x12: {  	s1 =	sld [smem:$0x3F9D];
	s0 =	simm.s32 @p0 $0x1  }
0x13: {  	[smem:$0x3FB8] =	sst s0;
	s0 =	simm.s32 @!p1 $0x0  }
0x14: {  	s2 =	sld [smem:$0x3F9C];
	s0 =	simm.s32 @p1 $0x1  }
0x15: {  	[smem:$0x3FB9] =	sst s0;
	s0 =	simm.s32 @!p2 $0x0  }
0x16: {  	s3 =	sld [smem:$0x3FDB];
	s0 =	simm.s32 @p2 $0x1  }
0x17: {  	s4 =	simm.s32 $0x1BF5;
	[smem:$0x3FBB] =	sst s0  }
0x18: {  	s0 =	sld [smem:$0x3F9E];
	_ =	swait.ge [sflag:s4], $0x0  }
0x19: {  	s7 =	sld [smem:$0x3F9F]  }
0x1a: {  	s8 =	sadd.s32 $0xFFFFE003, lr  }
0x1b: {  	s9 =	sadd.s32 $0xFFFFFEF7, lr;
	s5 =	simm.s32 $0xFFFFFFFF;
	p2 =	slt.u32 s8, $0xFFFFF086  }
0x1c: {  	p1 =	slt.u32 s9, $0xF7A;
	s5 =	simm.s32 @!p2 $0x0  }
0x1d: {  	s5 =	simm.s32 @p1 $0x1;
	p0 =	seq.s32 s7, s2  }
0x1e: {  	s7 =	smul.u32 @!p0 $0xF7A, s2;
	p2 =	seq.s32 @!p0 s5, $0x0  }
0x1f: {  	s9 =	smul.u32 $0xF7A, s1;
	s8 =	simm.s32 @!p0 $0x1BF5;
	p2 =	por !p2, p0  }
0x20: {  	[sflag:s8] =	ssyncset.s32 @!p0 $0xFFFFF086;
	s6 =	sadd.s32 @!p0 s3, s7;
	s7 =	simm.s32 @!p0 $0x108  }
0x21: {  	s3 =	sadd.s32 s3, s9;
	s6 =	sadd.s32 @!p0 $0x88, s6;
	s7 =	simm.s32 @p2 $0x1082  }
0x22: {  	[simem:s7], [sflag:s8] =	dma.local @!p0 [hbm:s6], $0xF7A  }
0x23: {  	s9 =	sor.u32 $0xD0000000, s2;
	s6 =	simm.s32 $0x108;
	_ =	swait.ge @!p0 [sflag:s8], $0x0  }
0x24: {  	s3 =	sadd.s32 $0x88, s3;
	s6 =	simm.s32 @!p1 $0x1082;
	[sflag:s4] =	ssyncset.s32 $0xFFFFF086  }
0x25: {  	[simem:s6], [sflag:s4] =	dma.local [hbm:s3], $0xF7A  }
0x26: {  	[smem:$0x3F9F] =	sst s1;
	(tag) =	ssettag s2;
	_ =	strace s9  }
0x27: {  	s1 =	sld [smem:$0x3FAF]  }
0x28: {  	s2 =	sld [smem:$0x3FB0]  }
0x29: {  	s4 =	sld [smem:$0x3FB2]  }
0x2a: {  	p0 =	seq.s32 s5, $0x0;
	s5 =	sld [smem:$0x3FB3]  }
0x2b: {  	s6 =	sld [smem:$0x3FB4]  }
0x2c: {  	s7 =	sld [smem:$0x3FB5]  }
0x2d: {  	s3 =	simm.s32 $0x108;
	s8 =	sld [smem:$0x3FB6]  }
0x2e: {  	s3 =	simm.s32 @!p0 $0x1082;
	s9 =	sld [smem:$0x3FB7]  }
0x2f: {  	lr =	sadd.s32 s0, s3;
	s0 =	sld [smem:$0x3FAE]  }
0x30: {  	s3 =	sld [smem:$0x3FB1]  }
0x31: {  	[smem:$0x3FBA] =	sst s10  }
0x32: {  	s10 =	sld [smem:$0x3FB8];
	_ =	sdelay $0x3  }
0x33: {  	p0 =	seq.s32 s10, $0x1;
	s10 =	sld [smem:$0x3FBA];
	_ =	sdelay $0x3  }
0x34: {  	[smem:$0x3FBA] =	sst s10  }
0x35: {  	s10 =	sld [smem:$0x3FB9];
	_ =	sdelay $0x3  }
0x36: {  	p1 =	seq.s32 s10, $0x1;
	s10 =	sld [smem:$0x3FBA];
	_ =	sdelay $0x3  }
0x37: {  	[smem:$0x3FBA] =	sst s10  }
0x38: {  	s10 =	sld [smem:$0x3FBB]  }
0x39: {  	_ = 	snop;
	(pc) =	sbr.ind lr, $3  }
0x3a: {  	_ = 	snop  }
0x3b: {  	_ = 	snop  }
0x3c: {  	p2 =	seq.s32 s10, $0x1;
	s10 =	sld [smem:$0x3FBA]  }
0x3d: {  	_ =	shalt  }
0x3e: {  	_ =	shalt  }
0x3f: {  	_ =	shalt  }
0x40: {  	_ =	shalt  }
0x41: {  	_ =	shalt  }
0x42: {  	_ =	shalt  }
0x43: {  	_ =	shalt  }
0x44: {  	_ =	shalt  }
0x45: {  	_ =	shalt  }
0x46: {  	_ =	shalt  }
0x47: {  	_ =	shalt  }
0x48: {  	_ =	shalt  }
0x49: {  	_ =	shalt  }
0x4a: {  	_ =	shalt  }
0x4b: {  	_ =	shalt  }
0x4c: {  	_ =	shalt  }
0x4d: {  	_ =	shalt  }
0x4e: {  	_ =	shalt  }
0x4f: {  	_ =	shalt  }
0x50: {  	_ =	shalt  }
0x51: {  	_ =	shalt  }
0x52: {  	_ =	shalt  }
0x53: {  	_ =	shalt  }
0x54: {  	_ =	shalt  }
0x55: {  	_ =	shalt  }
0x56: {  	_ =	shalt  }
0x57: {  	_ =	shalt  }
0x58: {  	_ =	shalt  }
0x59: {  	_ =	shalt  }
0x5a: {  	_ =	shalt  }
0x5b: {  	_ =	shalt  }
0x5c: {  	_ =	shalt  }
0x5d: {  	_ =	shalt  }
0x5e: {  	_ =	shalt  }
0x5f: {  	_ =	shalt  }
0x60: {  	_ =	shalt  }
0x61: {  	_ =	shalt  }
0x62: {  	_ =	shalt  }
0x63: {  	_ =	shalt  }
0x64: {  	_ =	shalt  }
0x65: {  	_ =	shalt  }
0x66: {  	_ =	shalt  }
0x67: {  	_ =	shalt  }
0x68: {  	_ =	shalt  }
0x69: {  	_ =	shalt  }
0x6a: {  	_ =	shalt  }
0x6b: {  	_ =	shalt  }
0x6c: {  	_ =	shalt  }
0x6d: {  	_ =	shalt  }
0x6e: {  	_ =	shalt  }
0x6f: {  	_ =	shalt  }
0x70: {  	_ =	shalt  }
0x71: {  	_ =	shalt  }
0x72: {  	_ =	shalt  }
0x73: {  	_ =	shalt  }
0x74: {  	_ =	shalt  }
0x75: {  	_ =	shalt  }
0x76: {  	_ =	shalt  }
0x77: {  	_ =	shalt  }
0x78: {  	_ =	shalt  }
0x79: {  	_ =	shalt  }
0x7a: {  	_ =	shalt  }
0x7b: {  	_ =	shalt  }
0x7c: {  	_ =	shalt  }
0x7d: {  	_ =	shalt  }
0x7e: {  	_ =	shalt  }
0x7f: {  	_ =	shalt  }
0x80: {  	_ =	shalt  }
0x81: {  	_ =	shalt  }
0x82: {  	_ =	shalt  }
0x83: {  	_ =	shalt  }
0x84: {  	_ =	shalt  }
0x85: {  	_ =	shalt  }
0x86: {  	_ =	shalt  }
0x87: {  	_ =	shalt  }
.Lfunc_end0:
.L_simem_size_0:
called_computation_lowered:
.L_overlay_start_0:
0x88: {  	s2 =	sld [smem:$0x3FD9]  }
0x89: {  	s3 =	sld [smem:$0x3FFE];
	_ =	sdelay $0x1  }
0x8a: {  	s1 =	srdreg.scid  }
0x8b: {  	s0 =	sand.u32 $0x1, s1  }
0x8c: {  	s15 =	sshll.u32 s0, $0xA;
	s2 =	sadd.s32 s3, s2  }
0x8d: {  	s2 =	sadd.s32 s2, s15  }
0x8e: {  	[smem:$0x3FC6] =	sst s2  }
0x8f: {  	_ = 	snop  }
0x90: {  	s2 =	sld [smem:$0x3FD0];
	_ =	sdelay $0x2  }
0x91: {  	s16 =	simm.s32 $0xA;
	s4 =	simm.s32 $0x10  }
0x92: {  	[smem:s4], [sflag:s16] =	dma.local [hbm:s2], $0x1  }
0x93: {  	_ =	swait.eq [sflag:s16], $0x1  }
0x94: {  	s17 =	sld [smem:$0x10];
	[sflag:s16] =	ssyncset.done $0x0  }
0x95: {  	s18 =	sld [smem:$0x11];
	[sflag:s16] =	ssyncadd.s32 $0xFFFFFFFF  }
0x96: {  	s19 =	sld [smem:$0x14];
	(tm) =	ssettm $0x1  }
0x97: {  	s5 =	sld [smem:$0x3FFB];
	_ =	sdelay $0x3  }
0x98: {  	_ =	strace s5  }
0x99: {  	s5 =	sld [smem:$0x3FFC];
	_ =	sdelay $0x3  }
0x9a: {  	_ =	strace s5  }
0x9b: {  	s5 =	sld [smem:$0x3FFD];
	_ =	sdelay $0x3  }
0x9c: {  	_ =	strace s5  }
0x9d: {  	_ =	strace $0x8FFFFFFF  }
0x9e: {  	s20 =	sld [smem:$0x3FDB];
	_ =	sdelay $0x1  }
0x9f: {  	s6 =	simm.s32 $_scs_section_size  }
0xa0: {  	s7 =	simm.s32 $_size__tile_overlayer_lowered;
	s8 =	simm.s32 $_tile_overlayer_lowered  }
0xa1: {  	s23 =	simm.s32 $0x1BFF;
	s22 =	sshll.u32 s8, $0x1;
	s5 =	sadd.s32 s6, s20  }
0xa2: {  	s9 =	simm.s32 $0x0;
	s21 =	sshll.u32 s7, $0x1;
	s7 =	sadd.s32 s22, s5  }
0xa3: {  	[timem:s9], [sflag:s23] =	dma.local [hbm:s7], s21  }
0xa4: {  	_ =	swait.ge [sflag:s23], s21  }
0xa5: {  	s6 =	ssub.s32 $0x0, s21;
	[sflag:s23] =	ssyncset.done $0x0  }
0xa6: {  	[sflag:s23] =	ssyncadd.s32 s6;
	_ =	sdelay $0x1  }
0xa7: {  	s24 =	simm.s32 $0x1B8B  }
0xa8: {  	_ =	swait.ge [sflag:s24], $0x1  }
0xa9: {  	[sflag:s24] =	ssyncset.done $0x0  }
0xaa: {  	s25 =	simm.s32 $0x1B8E;
	[sflag:s24] =	ssyncadd.s32 $0xFFFFFFFF  }
0xab: {  	s26 =	simm.s32 $execute0_lowered;
	[smem:$0x3FD2] =	sst s25  }
0xac: {  	s6 =	sshll.u32 s26, $0x1;
	_ =	strace $0x80000046;
	[dreg:$0x1] =	wrdreg $0xFFFFFFFF  }
0xad: {  	s28 =	simm.s32 $_size_execute0_lowered;
	s5 =	sadd.s32 s5, s6;
	[dreg:$0x0] =	wrdreg $0x0  }
0xae: {  	s6 =	sshll.u32 s28, $0x1;
	[dreg:$0x2] =	wrdreg s5  }
0xaf: {  	[dreg:$0x3] =	wrdreg s6  }
0xb0: {  	[dreg:$0x4] =	wrdreg $0xC0  }
0xb1: {  	_ =	task [dreg:s9], $0x5FFFF  }
0xb2: {  	[dreg:$0x1] =	wrdreg $0xFFFFFFFF  }
0xb3: {  	[dreg:$0x0] =	wrdreg $0x60  }
0xb4: {  	[dreg:$0x2] =	wrdreg s17  }
0xb5: {  	[dreg:$0x3] =	wrdreg s19  }
0xb6: {  	[dreg:$0x4] =	wrdreg s18  }
0xb7: {  	[dreg:$0x5] =	wrdreg $0x9  }
0xb8: {  	_ =	task.clear_ibuf [dreg:s9], $0x6FFFF;
	_ =	strace $0x90000046  }
0xb9: {  	s29 =	simm.s32 $0x9;
	_ =	strace $0x80000048  }
0xba: {  	_ =	swait.ge [sflag:s29], $0x1  }
0xbb: {  	[sflag:s29] =	ssyncadd.s32 $0xFFFFFFFF  }
0xbc: {  	_ =	strace $0x90000048  }
0xbd: {  	_ =	sfence  }
0xbe: {  	s30 =	sld [smem:$0x0];
	_ =	sdelay $0x2  }
0xbf: {  	s31 =	sshll.u32 s1, $0xD;
	s1 =	sshrl.u32 s1, $0x2  }
0xc0: {  	s3 =	sand.u32 $0x4000, s31;
	s1 =	sadd.s32 s1, s30  }
0xc1: {  	s0 =	sor.u32 s3, s0;
	s1 =	sshll.u32 s1, $0x11  }
0xc2: {  	s0 =	sor.u32 s1, s0  }
0xc3: {  	s0 =	sadd.s32 $0x8F2B, s0  }
0xc4: {  	[sflag:s0] =	ssyncadd.remote.s32 $0x1  }
0xc5: {  	_ =	sfence.sel $0xFFFF  }
0xc6: {  	[dreg:$0x0] =	wrdreg $0xFFFFFFFF;
	(pc) =	sbr.abs _section_cstart, $3  }
0xc7: {  	[dreg:$0x1] =	wrdreg $0xFFFFFFFF  }
0xc8: {  	_ =	task.clear_ibuf [dreg:s9], $0x2FFFF;
	_ =	strace $0x9FFFFFFF  }
0xc9: {  	(tm) =	ssettm $0x7FFFFFFF  }
tec
execute0_lowered:
.L_overlay_start_1:
0x0: {  	(tag) =	ssettag $0x1  }
0x1: {  	s1 =	rddreg [dreg:$0x0]  }
0x2: {  	s2 =	srdreg.scid;
	s0 =	stileid.u32  }
0x3: {  	s4 =	rddreg [dreg:$0x1];
	s25 =	sand.u32 $0x1, s2;
	s31 =	sshll.u32 s0, $0x1  }
0x4: {  	s24 =	rddreg [dreg:$0x2];
	s26 =	sor.u32 s25, s31  }
0x5: {  	s3 =	simm.s32 $0x0;
	s2 =	rddreg [dreg:$0x3];
	s5 =	smul.u32 $0x48, s26  }
0x6: {  	[smem:$0x7FF] =	sst s3  }
0x7: {  	_ =	strace $0x80000047;
	s5 =	sadd.s32 s4, s5;
	s4 =	simm.s32 $0x2  }
0x8: {  	[tilespmem:s3], [sflag:$0x2] =	stream.linear.gather [hbm4b:s5+s3], $0x240, $0x38;
	[tilespmem:$0x9240] =	vst v63  }
0x9: {  	_ =	swait.ge [sflag:s4], $0x240  }
0xa: {  	[sflag:s4] =	ssyncset.done $0x0  }
0xb: {  	s6 =	simm.s32 $0x40;
	s7 =	simm.s32 $0x240;
	[sflag:s4] =	ssyncadd.s32 $0xFFFFFDC0  }
0xc: {  	[tilespmem:s7], [sflag:$0x1] =	stream.indirect.gather [hbm4b:s1+s6], $0x40, s3, s6, $0xb8;
	[tilespmem:$0x9240] =	vst v63  }
0xd: {  	s8 =	simm.s32 $0x1240  }
0xe: {  	[tilespmem:s8], [sflag:$0x1] =	stream.indirect.gather [hbm4b:s1+s6], $0x40, s6, s6, $0xb8;
	[tilespmem:$0x9240] =	vst v63  }
0xf: {  	s9 =	simm.s32 $0x80;
	s10 =	simm.s32 $0x2240  }
0x10: {  	[tilespmem:s10], [sflag:$0x1] =	stream.indirect.gather [hbm4b:s1+s6], $0x40, s9, s6, $0xb8;
	[tilespmem:$0x9240] =	vst v63  }
0x11: {  	s11 =	simm.s32 $0xC0;
	s12 =	simm.s32 $0x3240  }
0x12: {  	[tilespmem:s12], [sflag:$0x1] =	stream.indirect.gather [hbm4b:s1+s6], $0x40, s11, s6, $0xb8;
	[tilespmem:$0x9240] =	vst v63  }
0x13: {  	s13 =	simm.s32 $0x100;
	s14 =	simm.s32 $0x4240  }
0x14: {  	[tilespmem:s14], [sflag:$0x1] =	stream.indirect.gather [hbm4b:s1+s6], $0x40, s13, s6, $0xb8;
	[tilespmem:$0x9240] =	vst v63  }
0x15: {  	s15 =	simm.s32 $0x140;
	s16 =	simm.s32 $0x5240  }
0x16: {  	[tilespmem:s16], [sflag:$0x1] =	stream.indirect.gather [hbm4b:s1+s6], $0x40, s15, s6, $0xb8;
	[tilespmem:$0x9240] =	vst v63  }
0x17: {  	s17 =	simm.s32 $0x180;
	s18 =	simm.s32 $0x6240  }
0x18: {  	[tilespmem:s18], [sflag:$0x1] =	stream.indirect.gather [hbm4b:s1+s6], $0x40, s17, s6, $0xb8;
	[tilespmem:$0x9240] =	vst v63  }
0x19: {  	s19 =	simm.s32 $0x1C0;
	s20 =	simm.s32 $0x7240  }
0x1a: {  	[tilespmem:s20], [sflag:$0x1] =	stream.indirect.gather [hbm4b:s1+s6], $0x40, s19, s6, $0xb8;
	[tilespmem:$0x9240] =	vst v63  }
0x1b: {  	s21 =	simm.s32 $0x200;
	s22 =	simm.s32 $0x8240;
	s23 =	simm.s32 $0x1  }
0x1c: {  	[tilespmem:s22], [sflag:$0x1] =	stream.indirect.gather [hbm4b:s1+s6], $0x40, s21, s6, $0xb8;
	[tilespmem:$0x9240] =	vst v63  }
0x1d: {  	_ =	swait.ge [sflag:s23], $0x1000  }
0x1e: {  	[sflag:s23] =	ssyncset.done $0x0  }
0x1f: {  	[sflag:s23] =	ssyncadd.s32 $0xFFFFF000  }
0x20: {  	_ =	swait.ge [sflag:s23], $0x1000  }
0x21: {  	[sflag:s23] =	ssyncset.done $0x0  }
0x22: {  	[sflag:s23] =	ssyncadd.s32 $0xFFFFF000  }
0x23: {  	_ =	swait.ge [sflag:s23], $0x1000  }
0x24: {  	[sflag:s23] =	ssyncset.done $0x0  }
0x25: {  	[sflag:s23] =	ssyncadd.s32 $0xFFFFF000  }
0x26: {  	_ =	swait.ge [sflag:s23], $0x1000  }
0x27: {  	[sflag:s23] =	ssyncset.done $0x0  }
0x28: {  	[sflag:s23] =	ssyncadd.s32 $0xFFFFF000  }
0x29: {  	_ =	swait.ge [sflag:s23], $0x1000  }
0x2a: {  	[sflag:s23] =	ssyncset.done $0x0  }
0x2b: {  	[sflag:s23] =	ssyncadd.s32 $0xFFFFF000  }
0x2c: {  	_ =	swait.ge [sflag:s23], $0x1000  }
0x2d: {  	[sflag:s23] =	ssyncset.done $0x0  }
0x2e: {  	[sflag:s23] =	ssyncadd.s32 $0xFFFFF000  }
0x2f: {  	_ =	swait.ge [sflag:s23], $0x1000  }
0x30: {  	[sflag:s23] =	ssyncset.done $0x0  }
0x31: {  	s25 =	ssub.s32 $0x2, s25;
	[sflag:s23] =	ssyncadd.s32 $0xFFFFF000  }
0x32: {  	s28 =	sshrl.u32 s25, $0x1;
	_ =	swait.ge [sflag:s23], $0x1000  }
0x33: {  	s25 =	ssub.s32 s25, s28;
	[sflag:s23] =	ssyncset.done $0x0  }
0x34: {  	s25 =	smax.u32 s25, $0x1;
	[sflag:s23] =	ssyncadd.s32 $0xFFFFF000  }
0x35: {  	s26 =	smul.u32 $0x1200, s26;
	p0 =	sne.s32 s25, $0x1;
	_ =	swait.ge [sflag:s23], $0x1000  }
.Ltmp0:
0x36: {  	[sflag:s23] =	ssyncset.done $0x0;
	(pc) =	sbr.rel @!p0 .LBB2_2-.Ltmp0, $4  }
0x37: {  	s24 =	sadd.s32 s24, s26;
	[sflag:s23] =	ssyncadd.s32 $0xFFFFF000  }
0x38: {  	[hbm4b:s24+s3] =	stream.linear.scatter [tilespmem:s7], [sflag:$0x2], $0x9000, $0x38;
	[tilespmem:$0x9240] =	vst v63  }
0x39: {  	_ =	swait.ge [sflag:s4], $0x9000  }
0x3a: {  	s25 =	sadd.s32 $0xFFFFFFFF, s25;
	[sflag:s4] =	ssyncset.done $0x0  }
.LBB2_1:
0x3b: {  	p0 =	sne.s32 s25, $0x1;
	s25 =	sadd.s32 $0xFFFFFFFF, s25;
	[sflag:s4] =	ssyncadd.s32 $0xFFFF7000  }
0x3c: {  	[tilespmem:s3], [sflag:$0x2] =	stream.linear.gather [hbm4b:s5+s3], $0x240, $0x38;
	[tilespmem:$0x9240] =	vst v63  }
0x3d: {  	_ =	swait.ge [sflag:s4], $0x240  }
0x3e: {  	[sflag:s4] =	ssyncset.done $0x0  }
0x3f: {  	[sflag:s4] =	ssyncadd.s32 $0xFFFFFDC0  }
0x40: {  	[tilespmem:s7], [sflag:$0x1] =	stream.indirect.gather [hbm4b:s1+s6], $0x40, s3, s6, $0xb8;
	[tilespmem:$0x9240] =	vst v63  }
0x41: {  	_ = 	snop  }
0x42: {  	[tilespmem:s8], [sflag:$0x1] =	stream.indirect.gather [hbm4b:s1+s6], $0x40, s6, s6, $0xb8;
	[tilespmem:$0x9240] =	vst v63  }
0x43: {  	_ = 	snop  }
0x44: {  	[tilespmem:s10], [sflag:$0x1] =	stream.indirect.gather [hbm4b:s1+s6], $0x40, s9, s6, $0xb8;
	[tilespmem:$0x9240] =	vst v63  }
0x45: {  	_ = 	snop  }
0x46: {  	[tilespmem:s12], [sflag:$0x1] =	stream.indirect.gather [hbm4b:s1+s6], $0x40, s11, s6, $0xb8;
	[tilespmem:$0x9240] =	vst v63  }
0x47: {  	_ = 	snop  }
0x48: {  	[tilespmem:s14], [sflag:$0x1] =	stream.indirect.gather [hbm4b:s1+s6], $0x40, s13, s6, $0xb8;
	[tilespmem:$0x9240] =	vst v63  }
0x49: {  	_ = 	snop  }
0x4a: {  	[tilespmem:s16], [sflag:$0x1] =	stream.indirect.gather [hbm4b:s1+s6], $0x40, s15, s6, $0xb8;
	[tilespmem:$0x9240] =	vst v63  }
0x4b: {  	_ = 	snop  }
0x4c: {  	[tilespmem:s18], [sflag:$0x1] =	stream.indirect.gather [hbm4b:s1+s6], $0x40, s17, s6, $0xb8;
	[tilespmem:$0x9240] =	vst v63  }
0x4d: {  	_ = 	snop  }
0x4e: {  	[tilespmem:s20], [sflag:$0x1] =	stream.indirect.gather [hbm4b:s1+s6], $0x40, s19, s6, $0xb8;
	[tilespmem:$0x9240] =	vst v63  }
0x4f: {  	_ = 	snop  }
0x50: {  	[tilespmem:s22], [sflag:$0x1] =	stream.indirect.gather [hbm4b:s1+s6], $0x40, s21, s6, $0xb8;
	[tilespmem:$0x9240] =	vst v63  }
0x51: {  	_ =	swait.ge [sflag:s23], $0x1000  }
0x52: {  	[sflag:s23] =	ssyncset.done $0x0  }
0x53: {  	[sflag:s23] =	ssyncadd.s32 $0xFFFFF000  }
0x54: {  	_ =	swait.ge [sflag:s23], $0x1000  }
0x55: {  	[sflag:s23] =	ssyncset.done $0x0  }
0x56: {  	[sflag:s23] =	ssyncadd.s32 $0xFFFFF000  }
0x57: {  	_ =	swait.ge [sflag:s23], $0x1000  }
0x58: {  	[sflag:s23] =	ssyncset.done $0x0  }
0x59: {  	[sflag:s23] =	ssyncadd.s32 $0xFFFFF000  }
0x5a: {  	_ =	swait.ge [sflag:s23], $0x1000  }
0x5b: {  	[sflag:s23] =	ssyncset.done $0x0  }
0x5c: {  	[sflag:s23] =	ssyncadd.s32 $0xFFFFF000  }
0x5d: {  	_ =	swait.ge [sflag:s23], $0x1000  }
0x5e: {  	[sflag:s23] =	ssyncset.done $0x0  }
0x5f: {  	[sflag:s23] =	ssyncadd.s32 $0xFFFFF000  }
0x60: {  	_ =	swait.ge [sflag:s23], $0x1000  }
0x61: {  	[sflag:s23] =	ssyncset.done $0x0  }
0x62: {  	[sflag:s23] =	ssyncadd.s32 $0xFFFFF000  }
0x63: {  	_ =	swait.ge [sflag:s23], $0x1000  }
0x64: {  	[sflag:s23] =	ssyncset.done $0x0  }
0x65: {  	[sflag:s23] =	ssyncadd.s32 $0xFFFFF000  }
0x66: {  	_ =	swait.ge [sflag:s23], $0x1000  }
0x67: {  	[sflag:s23] =	ssyncset.done $0x0  }
0x68: {  	[sflag:s23] =	ssyncadd.s32 $0xFFFFF000  }
0x69: {  	_ =	swait.ge [sflag:s23], $0x1000  }
.Ltmp1:
0x6a: {  	[sflag:s23] =	ssyncset.done $0x0;
	(pc) =	sbr.rel @p0 .LBB2_1-.Ltmp1, $4  }
0x6b: {  	[sflag:s23] =	ssyncadd.s32 $0xFFFFF000  }
0x6c: {  	[hbm4b:s24+s3] =	stream.linear.scatter [tilespmem:s7], [sflag:$0x2], $0x9000, $0x38;
	[tilespmem:$0x9240] =	vst v63  }
0x6d: {  	_ =	swait.ge [sflag:s4], $0x9000  }
0x6e: {  	[sflag:s4] =	ssyncset.done $0x0  }
.LBB2_2:
0x6f: {  	[sflag:s4] =	ssyncadd.s32 $0xFFFF7000  }
0x70: {  	_ =	sfence.sel $0x180000  }
0x71: {  	[bflag:$0x0] =	sbarrier.arrive $0xFFFF  }
0x72: {  	p0 =	sne.s32 s0, $0x0;
	_ =	strace $0x90000047  }
0x73: {  	s0 =	sadd.s32 @!p0 $0x100000, s2;
	[bflag:$0x2] =	sbarrier.arrive $0xFFFF  }
0x74: {  	[sflag:s0] =	ssyncadd.tile.s32 @!p0 $0x1;
	_ =	shalt  }
.Lfunc_end2:
_tile_overlayer_lowered:
.L_overlay_start_2:
0x75: {  	(tag) =	ssettag $0x2  }
0x76: {  	s0 =	rddreg [dreg:$0x0];
	s2 =	stileid.u32  }
0x77: {  	s1 =	rddreg [dreg:$0x1];
	p0 =	sne.s32 s2, $0x0  }
0x78: {  	s3 =	rddreg [dreg:$0x2];
	[bflag:$0x3] =	sbarrier.arrive $0xFFFF;
	s2 =	simm.s32 @!p0 $0x1C02  }
0x79: {  	[timem:s3], [sflag:s2] =	dma.local @!p0 [hbm:s0], s1  }
0x7a: {  	s0 =	simm.s32 @!p0 $0x2  }
0x7b: {  	_ =	swait.ge @!p0 [sflag:s0], s1  }
0x7c: {  	s1 =	ssub.s32 @!p0 $0x0, s1;
	[sflag:s0] =	ssyncset.done @!p0 $0x0  }
0x7d: {  	[sflag:s0] =	ssyncadd.s32 @!p0 s1  }
0x7e: {  	[bflag:$0x3] =	sbarrier.arrive $0xFFFF  }
0x7f: {  	_ =	shalt  }

</sc_bundles>
